<compile_context>
chip_gen: v7x
topology: tpu7x:2x2x1
jax: 0.10.2.dev20260603
libtpu: 0.0.44.dev20260713+nightly
codegen_flags: <defaults>
</compile_context>

<pallas_src>
import functools

import jax
import jax.numpy as jnp
from jax import lax
from jax.experimental import pallas as pl
from jax.experimental.pallas import tpu as pltpu
from jax.experimental.pallas import tpu_sc as plsc

SEQ = 200
BATCH = 1024
DIM = 64
B = SEQ * BATCH
NC = 2
NS = 16
NW = NC * NS
BPW = B // NW
CHUNK = 128
NCH = BPW // CHUNK
NBUF = 8
CPB = BATCH // CHUNK

_mesh = plsc.VectorSubcoreMesh(core_axis_name="c", subcore_axis_name="s")


@functools.partial(
    pl.kernel,
    mesh=_mesh,
    compiler_params=pltpu.CompilerParams(use_tc_tiling_on_sc=False),
    out_type=jax.ShapeDtypeStruct((SEQ, BATCH, DIM), jnp.float32),
    scratch_types=[
        pltpu.VMEM((BPW,), jnp.int32),
        pltpu.VMEM((NBUF, CHUNK, DIM), jnp.float32),
        pltpu.SemaphoreType.DMA,
        pltpu.SemaphoreType.DMA,
    ],
)
def _embed_lookup(idx_hbm, table_hbm, out_hbm, idx_v, rows_v, gsem, psem):
    wid = lax.axis_index("s") * NC + lax.axis_index("c")
    base = pl.multiple_of(wid * BPW, BPW)
    pltpu.sync_copy(idx_hbm.at[pl.ds(base, BPW)], idx_v)
    cbase = wid * NCH

    def out_ref(g):
        return out_hbm.at[lax.div(g, CPB), pl.ds(lax.rem(g, CPB) * CHUNK, CHUNK)]

    def idx_ref(j):
        return idx_v.at[pl.ds(pl.multiple_of(j * CHUNK, CHUNK), CHUNK)]

    for j in range(NBUF):
        pltpu.async_copy(table_hbm.at[idx_ref(j)], rows_v.at[j], gsem)

    @pl.loop(0, NCH)
    def _chunk(j):
        slot = lax.rem(j, NBUF)
        pltpu.make_async_copy(table_hbm.at[idx_ref(j)], rows_v.at[slot], gsem).wait()
        dst = out_ref(cbase + j)
        pltpu.async_copy(rows_v.at[slot], dst, psem)
        pltpu.make_async_copy(rows_v.at[slot], dst, psem).wait()

        @pl.when(j + NBUF < NCH)
        def _():
            pltpu.async_copy(table_hbm.at[idx_ref(j + NBUF)], rows_v.at[slot], gsem)


def kernel(source, table):
    idx = source.reshape(B)
    return _embed_lookup(idx, table)

# --- scband reference (transcript-rebuilt; emitter-appended) ---
"""Pipeline reference for scband-embeddings-16252156248519 (READ-ONLY COPY).

The authoritative reference and input builder live on the scoring server;
editing this copy changes nothing except your own understanding.
"""

import jax, jax.numpy as jnp
import numpy as np

VOCAB = 1000000
DIM = 64
SEQ = 200
BATCH = 1024
PAD_IDX = 0


def setup_inputs(seed: int = 0) -> dict:
    key = jax.random.key(seed)
    k1, k2 = jax.random.split(key)
    # source: [len, batch, nfeat=1] integer indices into the word vocab
    source = jax.random.randint(k1, (SEQ, BATCH, 1), 0, VOCAB, dtype=jnp.int32)
    # word embedding table (nn.Embedding weight); padding_idx row is zeros
    table = jax.random.normal(k2, (VOCAB, DIM), dtype=jnp.float32)
    table = table.at[PAD_IDX].set(0.0)
    return {"source": source, "table": table}


def reference(source, table):
    # Embeddings.forward with feat_merge='concat' and no extra features:
    # Elementwise splits the last (nfeat) dim, looks each feature up in its
    # own table, and concatenates. With a single word feature this is just
    # a plain embedding lookup producing [len, batch, embedding_size].
    idx = source[:, :, 0]
    emb = jnp.take(table, idx, axis=0)
    return emb

if __name__ == "__main__":
    import jax
    _d = setup_inputs()
    print(jax.jit(kernel)(*tuple(_d.values())))

</pallas_src>

<mosaic_0001>
#map = affine_map<(d0, d1) -> (0)>
#map1 = affine_map<(d0, d1) -> (0, 0)>
#map2 = affine_map<(d0, d1) -> (0, 0, 0)>
module attributes {stable_mosaic.version = 14 : i64} {
  func.func @_embed_lookup(%arg0: i32, %arg1: i32, %arg2: memref<204800xi32, #tpu.memory_space<hbm>>, %arg3: memref<1000000x64xf32, #tpu.memory_space<hbm>>, %arg4: memref<200x1024x64xf32, #tpu.memory_space<hbm>>, %arg5: memref<6400xi32, #tpu.memory_space<vmem>>, %arg6: memref<8x128x64xf32, #tpu.memory_space<vmem>>, %arg7: memref<!tpu.dma_semaphore, #tpu.memory_space<semaphore_mem>>, %arg8: memref<!tpu.dma_semaphore, #tpu.memory_space<semaphore_mem>>) attributes {dimension_semantics = [#tpu.dimension_semantics<core_parallel>, #tpu.dimension_semantics<subcore_parallel>], iteration_bounds = array<i64: 2, 16>, scalar_prefetch = 0 : i64, scratch_operands = 4 : i64, tpu.core_type = #tpu.core_type<sc_vector_subcore>, window_params = [{transform_indices = #map}, {transform_indices = #map1}, {transform_indices = #map2}]} {
    %mul3A = arith.constant 2 : i32
    %mul3A_0 = arith.muli %arg1, %mul3A : i32
    %add3A = arith.addi %mul3A_0, %arg0 : i32
    %mul3A_1 = arith.constant 6400 : i32
    %mul3A_2 = arith.muli %add3A, %mul3A_1 : i32
    %multiple_of3A = tpu.assume_multiple %mul3A_2, 6400 : i32
    "tpu.region"() ({
      %run_scoped3A = tpu.sem_alloc : memref<!tpu.dma_semaphore, #tpu.memory_space<semaphore_mem>>
      %dma_start3A_96 = tpu.memref_slice %arg2[%multiple_of3A] : memref<204800xi32, #tpu.memory_space<hbm>> -> memref<6400xi32, #tpu.memory_space<hbm>>
      %dma_start3A_97 = tpu.memref_slice %arg2[%multiple_of3A] : memref<204800xi32, #tpu.memory_space<hbm>> -> memref<6400xi32, #tpu.memory_space<hbm>>
      tpu.enqueue_dma source(%dma_start3A_97 : memref<6400xi32, #tpu.memory_space<hbm>>) target(%arg5 : memref<6400xi32, #tpu.memory_space<vmem>>) target_semaphore(%run_scoped3A : memref<!tpu.dma_semaphore, #tpu.memory_space<semaphore_mem>>)
      %dma_wait3A = tpu.memref_slice %arg2[%multiple_of3A] : memref<204800xi32, #tpu.memory_space<hbm>> -> memref<6400xi32, #tpu.memory_space<hbm>>
      %dma_wait3A_98 = tpu.memref_slice %arg2[%multiple_of3A] : memref<204800xi32, #tpu.memory_space<hbm>> -> memref<6400xi32, #tpu.memory_space<hbm>>
      tpu.wait_dma2 semaphore(%run_scoped3A : memref<!tpu.dma_semaphore, #tpu.memory_space<semaphore_mem>>) src(%dma_wait3A_98 : memref<6400xi32, #tpu.memory_space<hbm>>) dst(%arg5 : memref<6400xi32, #tpu.memory_space<vmem>>)
      tpu.yield
    }) : () -> ()
    %mul3A_3 = arith.constant 50 : i32
    %mul3A_4 = arith.muli %add3A, %mul3A_3 : i32
    %multiple_of3A_5 = arith.constant 0 : i32
    %multiple_of3A_6 = tpu.assume_multiple %multiple_of3A_5, 128 : i32
    %dma_start3A = arith.constant 0 : i32
    %dma_start3A_7 = arith.constant 0 : i32
    %dma_start3A_8 = arith.constant 0 : i32
    %dma_start3A_9 = tpu.memref_slice %arg6[%dma_start3A, %dma_start3A_7, %dma_start3A_8] : memref<8x128x64xf32, #tpu.memory_space<vmem>> -> memref<1x128x64xf32, #tpu.memory_space<vmem>>
    %dma_start3A_10 = tpu.memref_squeeze %dma_start3A_9 : memref<1x128x64xf32, #tpu.memory_space<vmem>> -> memref<128x64xf32, #tpu.memory_space<vmem>>
    %dma_start3A_11 = tpu.memref_slice %arg5[%multiple_of3A_6] : memref<6400xi32, #tpu.memory_space<vmem>> -> memref<128xi32, #tpu.memory_space<vmem>>
    %dma_start3A_12 = arith.constant 0 : i32
    %dma_start3A_13 = arith.constant 0 : i32
    %dma_start3A_14 = tpu.memref_slice %arg3[%dma_start3A_12, %dma_start3A_13] : memref<1000000x64xf32, #tpu.memory_space<hbm>> -> memref<1000000x64xf32, #tpu.memory_space<hbm>>
    tpu.enqueue_indirect_dma source(%dma_start3A_14 : memref<1000000x64xf32, #tpu.memory_space<hbm>>) target(%dma_start3A_10 : memref<128x64xf32, #tpu.memory_space<vmem>>) offsets(%dma_start3A_11 : memref<128xi32, #tpu.memory_space<vmem>>) semaphore(%arg7 : memref<!tpu.dma_semaphore, #tpu.memory_space<semaphore_mem>>)
    %multiple_of3A_15 = arith.constant 128 : i32
    %multiple_of3A_16 = tpu.assume_multiple %multiple_of3A_15, 128 : i32
    %dma_start3A_17 = arith.constant 1 : i32
    %dma_start3A_18 = arith.constant 0 : i32
    %dma_start3A_19 = arith.constant 0 : i32
    %dma_start3A_20 = tpu.memref_slice %arg6[%dma_start3A_17, %dma_start3A_18, %dma_start3A_19] : memref<8x128x64xf32, #tpu.memory_space<vmem>> -> memref<1x128x64xf32, #tpu.memory_space<vmem>>
    %dma_start3A_21 = tpu.memref_squeeze %dma_start3A_20 : memref<1x128x64xf32, #tpu.memory_space<vmem>> -> memref<128x64xf32, #tpu.memory_space<vmem>>
    %dma_start3A_22 = tpu.memref_slice %arg5[%multiple_of3A_16] : memref<6400xi32, #tpu.memory_space<vmem>> -> memref<128xi32, #tpu.memory_space<vmem>>
    %dma_start3A_23 = arith.constant 0 : i32
    %dma_start3A_24 = arith.constant 0 : i32
    %dma_start3A_25 = tpu.memref_slice %arg3[%dma_start3A_23, %dma_start3A_24] : memref<1000000x64xf32, #tpu.memory_space<hbm>> -> memref<1000000x64xf32, #tpu.memory_space<hbm>>
    tpu.enqueue_indirect_dma source(%dma_start3A_25 : memref<1000000x64xf32, #tpu.memory_space<hbm>>) target(%dma_start3A_21 : memref<128x64xf32, #tpu.memory_space<vmem>>) offsets(%dma_start3A_22 : memref<128xi32, #tpu.memory_space<vmem>>) semaphore(%arg7 : memref<!tpu.dma_semaphore, #tpu.memory_space<semaphore_mem>>)
    %multiple_of3A_26 = arith.constant 256 : i32
    %multiple_of3A_27 = tpu.assume_multiple %multiple_of3A_26, 128 : i32
    %dma_start3A_28 = arith.constant 2 : i32
    %dma_start3A_29 = arith.constant 0 : i32
    %dma_start3A_30 = arith.constant 0 : i32
    %dma_start3A_31 = tpu.memref_slice %arg6[%dma_start3A_28, %dma_start3A_29, %dma_start3A_30] : memref<8x128x64xf32, #tpu.memory_space<vmem>> -> memref<1x128x64xf32, #tpu.memory_space<vmem>>
    %dma_start3A_32 = tpu.memref_squeeze %dma_start3A_31 : memref<1x128x64xf32, #tpu.memory_space<vmem>> -> memref<128x64xf32, #tpu.memory_space<vmem>>
    %dma_start3A_33 = tpu.memref_slice %arg5[%multiple_of3A_27] : memref<6400xi32, #tpu.memory_space<vmem>> -> memref<128xi32, #tpu.memory_space<vmem>>
    %dma_start3A_34 = arith.constant 0 : i32
    %dma_start3A_35 = arith.constant 0 : i32
    %dma_start3A_36 = tpu.memref_slice %arg3[%dma_start3A_34, %dma_start3A_35] : memref<1000000x64xf32, #tpu.memory_space<hbm>> -> memref<1000000x64xf32, #tpu.memory_space<hbm>>
    tpu.enqueue_indirect_dma source(%dma_start3A_36 : memref<1000000x64xf32, #tpu.memory_space<hbm>>) target(%dma_start3A_32 : memref<128x64xf32, #tpu.memory_space<vmem>>) offsets(%dma_start3A_33 : memref<128xi32, #tpu.memory_space<vmem>>) semaphore(%arg7 : memref<!tpu.dma_semaphore, #tpu.memory_space<semaphore_mem>>)
    %multiple_of3A_37 = arith.constant 384 : i32
    %multiple_of3A_38 = tpu.assume_multiple %multiple_of3A_37, 128 : i32
    %dma_start3A_39 = arith.constant 3 : i32
    %dma_start3A_40 = arith.constant 0 : i32
    %dma_start3A_41 = arith.constant 0 : i32
    %dma_start3A_42 = tpu.memref_slice %arg6[%dma_start3A_39, %dma_start3A_40, %dma_start3A_41] : memref<8x128x64xf32, #tpu.memory_space<vmem>> -> memref<1x128x64xf32, #tpu.memory_space<vmem>>
    %dma_start3A_43 = tpu.memref_squeeze %dma_start3A_42 : memref<1x128x64xf32, #tpu.memory_space<vmem>> -> memref<128x64xf32, #tpu.memory_space<vmem>>
    %dma_start3A_44 = tpu.memref_slice %arg5[%multiple_of3A_38] : memref<6400xi32, #tpu.memory_space<vmem>> -> memref<128xi32, #tpu.memory_space<vmem>>
    %dma_start3A_45 = arith.constant 0 : i32
    %dma_start3A_46 = arith.constant 0 : i32
    %dma_start3A_47 = tpu.memref_slice %arg3[%dma_start3A_45, %dma_start3A_46] : memref<1000000x64xf32, #tpu.memory_space<hbm>> -> memref<1000000x64xf32, #tpu.memory_space<hbm>>
    tpu.enqueue_indirect_dma source(%dma_start3A_47 : memref<1000000x64xf32, #tpu.memory_space<hbm>>) target(%dma_start3A_43 : memref<128x64xf32, #tpu.memory_space<vmem>>) offsets(%dma_start3A_44 : memref<128xi32, #tpu.memory_space<vmem>>) semaphore(%arg7 : memref<!tpu.dma_semaphore, #tpu.memory_space<semaphore_mem>>)
    %multiple_of3A_48 = arith.constant 512 : i32
    %multiple_of3A_49 = tpu.assume_multiple %multiple_of3A_48, 128 : i32
    %dma_start3A_50 = arith.constant 4 : i32
    %dma_start3A_51 = arith.constant 0 : i32
    %dma_start3A_52 = arith.constant 0 : i32
    %dma_start3A_53 = tpu.memref_slice %arg6[%dma_start3A_50, %dma_start3A_51, %dma_start3A_52] : memref<8x128x64xf32, #tpu.memory_space<vmem>> -> memref<1x128x64xf32, #tpu.memory_space<vmem>>
    %dma_start3A_54 = tpu.memref_squeeze %dma_start3A_53 : memref<1x128x64xf32, #tpu.memory_space<vmem>> -> memref<128x64xf32, #tpu.memory_space<vmem>>
    %dma_start3A_55 = tpu.memref_slice %arg5[%multiple_of3A_49] : memref<6400xi32, #tpu.memory_space<vmem>> -> memref<128xi32, #tpu.memory_space<vmem>>
    %dma_start3A_56 = arith.constant 0 : i32
    %dma_start3A_57 = arith.constant 0 : i32
    %dma_start3A_58 = tpu.memref_slice %arg3[%dma_start3A_56, %dma_start3A_57] : memref<1000000x64xf32, #tpu.memory_space<hbm>> -> memref<1000000x64xf32, #tpu.memory_space<hbm>>
    tpu.enqueue_indirect_dma source(%dma_start3A_58 : memref<1000000x64xf32, #tpu.memory_space<hbm>>) target(%dma_start3A_54 : memref<128x64xf32, #tpu.memory_space<vmem>>) offsets(%dma_start3A_55 : memref<128xi32, #tpu.memory_space<vmem>>) semaphore(%arg7 : memref<!tpu.dma_semaphore, #tpu.memory_space<semaphore_mem>>)
    %multiple_of3A_59 = arith.constant 640 : i32
    %multiple_of3A_60 = tpu.assume_multiple %multiple_of3A_59, 128 : i32
    %dma_start3A_61 = arith.constant 5 : i32
    %dma_start3A_62 = arith.constant 0 : i32
    %dma_start3A_63 = arith.constant 0 : i32
    %dma_start3A_64 = tpu.memref_slice %arg6[%dma_start3A_61, %dma_start3A_62, %dma_start3A_63] : memref<8x128x64xf32, #tpu.memory_space<vmem>> -> memref<1x128x64xf32, #tpu.memory_space<vmem>>
    %dma_start3A_65 = tpu.memref_squeeze %dma_start3A_64 : memref<1x128x64xf32, #tpu.memory_space<vmem>> -> memref<128x64xf32, #tpu.memory_space<vmem>>
    %dma_start3A_66 = tpu.memref_slice %arg5[%multiple_of3A_60] : memref<6400xi32, #tpu.memory_space<vmem>> -> memref<128xi32, #tpu.memory_space<vmem>>
    %dma_start3A_67 = arith.constant 0 : i32
    %dma_start3A_68 = arith.constant 0 : i32
    %dma_start3A_69 = tpu.memref_slice %arg3[%dma_start3A_67, %dma_start3A_68] : memref<1000000x64xf32, #tpu.memory_space<hbm>> -> memref<1000000x64xf32, #tpu.memory_space<hbm>>
    tpu.enqueue_indirect_dma source(%dma_start3A_69 : memref<1000000x64xf32, #tpu.memory_space<hbm>>) target(%dma_start3A_65 : memref<128x64xf32, #tpu.memory_space<vmem>>) offsets(%dma_start3A_66 : memref<128xi32, #tpu.memory_space<vmem>>) semaphore(%arg7 : memref<!tpu.dma_semaphore, #tpu.memory_space<semaphore_mem>>)
    %multiple_of3A_70 = arith.constant 768 : i32
    %multiple_of3A_71 = tpu.assume_multiple %multiple_of3A_70, 128 : i32
    %dma_start3A_72 = arith.constant 6 : i32
    %dma_start3A_73 = arith.constant 0 : i32
    %dma_start3A_74 = arith.constant 0 : i32
    %dma_start3A_75 = tpu.memref_slice %arg6[%dma_start3A_72, %dma_start3A_73, %dma_start3A_74] : memref<8x128x64xf32, #tpu.memory_space<vmem>> -> memref<1x128x64xf32, #tpu.memory_space<vmem>>
    %dma_start3A_76 = tpu.memref_squeeze %dma_start3A_75 : memref<1x128x64xf32, #tpu.memory_space<vmem>> -> memref<128x64xf32, #tpu.memory_space<vmem>>
    %dma_start3A_77 = tpu.memref_slice %arg5[%multiple_of3A_71] : memref<6400xi32, #tpu.memory_space<vmem>> -> memref<128xi32, #tpu.memory_space<vmem>>
    %dma_start3A_78 = arith.constant 0 : i32
    %dma_start3A_79 = arith.constant 0 : i32
    %dma_start3A_80 = tpu.memref_slice %arg3[%dma_start3A_78, %dma_start3A_79] : memref<1000000x64xf32, #tpu.memory_space<hbm>> -> memref<1000000x64xf32, #tpu.memory_space<hbm>>
    tpu.enqueue_indirect_dma source(%dma_start3A_80 : memref<1000000x64xf32, #tpu.memory_space<hbm>>) target(%dma_start3A_76 : memref<128x64xf32, #tpu.memory_space<vmem>>) offsets(%dma_start3A_77 : memref<128xi32, #tpu.memory_space<vmem>>) semaphore(%arg7 : memref<!tpu.dma_semaphore, #tpu.memory_space<semaphore_mem>>)
    %multiple_of3A_81 = arith.constant 896 : i32
    %multiple_of3A_82 = tpu.assume_multiple %multiple_of3A_81, 128 : i32
    %dma_start3A_83 = arith.constant 7 : i32
    %dma_start3A_84 = arith.constant 0 : i32
    %dma_start3A_85 = arith.constant 0 : i32
    %dma_start3A_86 = tpu.memref_slice %arg6[%dma_start3A_83, %dma_start3A_84, %dma_start3A_85] : memref<8x128x64xf32, #tpu.memory_space<vmem>> -> memref<1x128x64xf32, #tpu.memory_space<vmem>>
    %dma_start3A_87 = tpu.memref_squeeze %dma_start3A_86 : memref<1x128x64xf32, #tpu.memory_space<vmem>> -> memref<128x64xf32, #tpu.memory_space<vmem>>
    %dma_start3A_88 = tpu.memref_slice %arg5[%multiple_of3A_82] : memref<6400xi32, #tpu.memory_space<vmem>> -> memref<128xi32, #tpu.memory_space<vmem>>
    %dma_start3A_89 = arith.constant 0 : i32
    %dma_start3A_90 = arith.constant 0 : i32
    %dma_start3A_91 = tpu.memref_slice %arg3[%dma_start3A_89, %dma_start3A_90] : memref<1000000x64xf32, #tpu.memory_space<hbm>> -> memref<1000000x64xf32, #tpu.memory_space<hbm>>
    tpu.enqueue_indirect_dma source(%dma_start3A_91 : memref<1000000x64xf32, #tpu.memory_space<hbm>>) target(%dma_start3A_87 : memref<128x64xf32, #tpu.memory_space<vmem>>) offsets(%dma_start3A_88 : memref<128xi32, #tpu.memory_space<vmem>>) semaphore(%arg7 : memref<!tpu.dma_semaphore, #tpu.memory_space<semaphore_mem>>)
    %scan3A = arith.constant 0 : i32
    %scan3A_92 = arith.constant 50 : i32
    %scan3A_93 = arith.addi %scan3A, %scan3A_92 : i32
    %scan3A_94 = arith.constant 1 : i32
    scf.for %scan3A_96 = %scan3A to %scan3A_93 step %scan3A_94  : i32 {
      %mul3A_97 = arith.constant 1 : i32
      %mul3A_98 = arith.muli %scan3A_96, %mul3A_97 : i32
      %add3A_99 = arith.constant 0 : i32
      %add3A_100 = arith.addi %add3A_99, %mul3A_98 : i32
      %rem3A = arith.constant 8 : i32
      %rem3A_101 = arith.remsi %add3A_100, %rem3A : i32
      %mul3A_102 = arith.constant 128 : i32
      %mul3A_103 = arith.muli %add3A_100, %mul3A_102 : i32
      %multiple_of3A_104 = tpu.assume_multiple %mul3A_103, 128 : i32
      %dma_wait3A = arith.constant 0 : i32
      %dma_wait3A_105 = arith.constant 0 : i32
      %dma_wait3A_106 = tpu.memref_slice %arg6[%rem3A_101, %dma_wait3A, %dma_wait3A_105] : memref<8x128x64xf32, #tpu.memory_space<vmem>> -> memref<1x128x64xf32, #tpu.memory_space<vmem>>
      %dma_wait3A_107 = tpu.memref_squeeze %dma_wait3A_106 : memref<1x128x64xf32, #tpu.memory_space<vmem>> -> memref<128x64xf32, #tpu.memory_space<vmem>>
      %dma_wait3A_108 = tpu.memref_slice %arg5[%multiple_of3A_104] : memref<6400xi32, #tpu.memory_space<vmem>> -> memref<128xi32, #tpu.memory_space<vmem>>
      %dma_wait3A_109 = arith.constant 0 : i32
      %dma_wait3A_110 = arith.constant 0 : i32
      %dma_wait3A_111 = tpu.memref_slice %arg3[%dma_wait3A_109, %dma_wait3A_110] : memref<1000000x64xf32, #tpu.memory_space<hbm>> -> memref<1000000x64xf32, #tpu.memory_space<hbm>>
      tpu.wait_indirect_dma semaphore(%arg7 : memref<!tpu.dma_semaphore, #tpu.memory_space<semaphore_mem>>) src(%dma_wait3A_111 : memref<1000000x64xf32, #tpu.memory_space<hbm>>) dst(%dma_wait3A_107 : memref<128x64xf32, #tpu.memory_space<vmem>>)
      %add3A_112 = arith.addi %mul3A_4, %add3A_100 : i32
      %div3A = arith.constant 8 : i32
      %div3A_113 = arith.divsi %add3A_112, %div3A : i32
      %rem3A_114 = arith.constant 8 : i32
      %rem3A_115 = arith.remsi %add3A_112, %rem3A_114 : i32
      %mul3A_116 = arith.constant 128 : i32
      %mul3A_117 = arith.muli %rem3A_115, %mul3A_116 : i32
      %dma_start3A_118 = arith.constant 0 : i32
      %dma_start3A_119 = arith.constant 0 : i32
      %dma_start3A_120 = tpu.memref_slice %arg6[%rem3A_101, %dma_start3A_118, %dma_start3A_119] : memref<8x128x64xf32, #tpu.memory_space<vmem>> -> memref<1x128x64xf32, #tpu.memory_space<vmem>>
      %dma_start3A_121 = tpu.memref_squeeze %dma_start3A_120 : memref<1x128x64xf32, #tpu.memory_space<vmem>> -> memref<128x64xf32, #tpu.memory_space<vmem>>
      %dma_start3A_122 = arith.constant 0 : i32
      %dma_start3A_123 = tpu.memref_slice %arg4[%div3A_113, %mul3A_117, %dma_start3A_122] : memref<200x1024x64xf32, #tpu.memory_space<hbm>> -> memref<1x128x64xf32, #tpu.memory_space<hbm>>
      %dma_start3A_124 = tpu.memref_squeeze %dma_start3A_123 : memref<1x128x64xf32, #tpu.memory_space<hbm>> -> memref<128x64xf32, #tpu.memory_space<hbm>>
      %dma_start3A_125 = arith.constant 0 : i32
      %dma_start3A_126 = tpu.memref_slice %arg4[%div3A_113, %mul3A_117, %dma_start3A_125] : memref<200x1024x64xf32, #tpu.memory_space<hbm>> -> memref<1x128x64xf32, #tpu.memory_space<hbm>>
      %dma_start3A_127 = tpu.memref_squeeze %dma_start3A_126 : memref<1x128x64xf32, #tpu.memory_space<hbm>> -> memref<128x64xf32, #tpu.memory_space<hbm>>
      %dma_start3A_128 = arith.constant 0 : i32
      %dma_start3A_129 = arith.constant 0 : i32
      %dma_start3A_130 = tpu.memref_slice %arg6[%rem3A_101, %dma_start3A_128, %dma_start3A_129] : memref<8x128x64xf32, #tpu.memory_space<vmem>> -> memref<1x128x64xf32, #tpu.memory_space<vmem>>
      %dma_start3A_131 = tpu.memref_squeeze %dma_start3A_130 : memref<1x128x64xf32, #tpu.memory_space<vmem>> -> memref<128x64xf32, #tpu.memory_space<vmem>>
      tpu.enqueue_dma source(%dma_start3A_131 : memref<128x64xf32, #tpu.memory_space<vmem>>) target(%dma_start3A_127 : memref<128x64xf32, #tpu.memory_space<hbm>>) target_semaphore(%arg8 : memref<!tpu.dma_semaphore, #tpu.memory_space<semaphore_mem>>)
      %dma_wait3A_132 = arith.constant 0 : i32
      %dma_wait3A_133 = arith.constant 0 : i32
      %dma_wait3A_134 = tpu.memref_slice %arg6[%rem3A_101, %dma_wait3A_132, %dma_wait3A_133] : memref<8x128x64xf32, #tpu.memory_space<vmem>> -> memref<1x128x64xf32, #tpu.memory_space<vmem>>
      %dma_wait3A_135 = tpu.memref_squeeze %dma_wait3A_134 : memref<1x128x64xf32, #tpu.memory_space<vmem>> -> memref<128x64xf32, #tpu.memory_space<vmem>>
      %dma_wait3A_136 = arith.constant 0 : i32
      %dma_wait3A_137 = tpu.memref_slice %arg4[%div3A_113, %mul3A_117, %dma_wait3A_136] : memref<200x1024x64xf32, #tpu.memory_space<hbm>> -> memref<1x128x64xf32, #tpu.memory_space<hbm>>
      %dma_wait3A_138 = tpu.memref_squeeze %dma_wait3A_137 : memref<1x128x64xf32, #tpu.memory_space<hbm>> -> memref<128x64xf32, #tpu.memory_space<hbm>>
      %dma_wait3A_139 = arith.constant 0 : i32
      %dma_wait3A_140 = tpu.memref_slice %arg4[%div3A_113, %mul3A_117, %dma_wait3A_139] : memref<200x1024x64xf32, #tpu.memory_space<hbm>> -> memref<1x128x64xf32, #tpu.memory_space<hbm>>
      %dma_wait3A_141 = tpu.memref_squeeze %dma_wait3A_140 : memref<1x128x64xf32, #tpu.memory_space<hbm>> -> memref<128x64xf32, #tpu.memory_space<hbm>>
      %dma_wait3A_142 = arith.constant 0 : i32
      %dma_wait3A_143 = arith.constant 0 : i32
      %dma_wait3A_144 = tpu.memref_slice %arg6[%rem3A_101, %dma_wait3A_142, %dma_wait3A_143] : memref<8x128x64xf32, #tpu.memory_space<vmem>> -> memref<1x128x64xf32, #tpu.memory_space<vmem>>
      %dma_wait3A_145 = tpu.memref_squeeze %dma_wait3A_144 : memref<1x128x64xf32, #tpu.memory_space<vmem>> -> memref<128x64xf32, #tpu.memory_space<vmem>>
      tpu.wait_dma2 semaphore(%arg8 : memref<!tpu.dma_semaphore, #tpu.memory_space<semaphore_mem>>) src(%dma_wait3A_145 : memref<128x64xf32, #tpu.memory_space<vmem>>) dst(%dma_wait3A_141 : memref<128x64xf32, #tpu.memory_space<hbm>>)
      %add3A_146 = arith.constant 8 : i32
      %add3A_147 = arith.addi %add3A_100, %add3A_146 : i32
      %lt3A = arith.constant 50 : i32
      %lt3A_148 = arith.cmpi slt, %add3A_147, %lt3A : i32
      %convert_element_type3A = arith.extui %lt3A_148 : i1 to i32
      %cond3A = arith.constant 0 : i32
      %cond3A_149 = arith.cmpi ne, %convert_element_type3A, %cond3A : i32
      scf.if %cond3A_149 {
        %add3A_150 = arith.constant 8 : i32
        %add3A_151 = arith.addi %add3A_100, %add3A_150 : i32
        %mul3A_152 = arith.constant 128 : i32
        %mul3A_153 = arith.muli %add3A_151, %mul3A_152 : i32
        %multiple_of3A_154 = tpu.assume_multiple %mul3A_153, 128 : i32
        %dma_start3A_155 = arith.constant 0 : i32
        %dma_start3A_156 = arith.constant 0 : i32
        %dma_start3A_157 = tpu.memref_slice %arg6[%rem3A_101, %dma_start3A_155, %dma_start3A_156] : memref<8x128x64xf32, #tpu.memory_space<vmem>> -> memref<1x128x64xf32, #tpu.memory_space<vmem>>
        %dma_start3A_158 = tpu.memref_squeeze %dma_start3A_157 : memref<1x128x64xf32, #tpu.memory_space<vmem>> -> memref<128x64xf32, #tpu.memory_space<vmem>>
        %dma_start3A_159 = tpu.memref_slice %arg5[%multiple_of3A_154] : memref<6400xi32, #tpu.memory_space<vmem>> -> memref<128xi32, #tpu.memory_space<vmem>>
        %dma_start3A_160 = arith.constant 0 : i32
        %dma_start3A_161 = arith.constant 0 : i32
        %dma_start3A_162 = tpu.memref_slice %arg3[%dma_start3A_160, %dma_start3A_161] : memref<1000000x64xf32, #tpu.memory_space<hbm>> -> memref<1000000x64xf32, #tpu.memory_space<hbm>>
        tpu.enqueue_indirect_dma source(%dma_start3A_162 : memref<1000000x64xf32, #tpu.memory_space<hbm>>) target(%dma_start3A_158 : memref<128x64xf32, #tpu.memory_space<vmem>>) offsets(%dma_start3A_159 : memref<128xi32, #tpu.memory_space<vmem>>) semaphore(%arg7 : memref<!tpu.dma_semaphore, #tpu.memory_space<semaphore_mem>>)
      } else {
      }
    }
    %scan3A_95 = arith.constant 50 : i32
    return
  }
}

</mosaic_0001>

<sc_bundles>
// kernel: kernel.3.cloned.1.call-start
scs
__scs_entry_jumppad:
0x0: {  	(pc) =	sbr.rel $0x88, $3  }
0x1: {  	(tag) =	ssettag $0x0;
	lr =	simm.s32 $0x1  }
0x2: {  	[smem:$0x3F9F] =	sst lr;
	_ =	strace $0xD0000000  }
0x3: {  	_ = 	snop  }
0x4: {  	_ = 	snop  }
0x5: {  	_ = 	snop  }
0x6: {  	_ = 	snop  }
0x7: {  	_ = 	snop  }
__scs_overlays_trampoline_lowered:
0x8: {  	[smem:$0x3FAE] =	sst s0  }
0x9: {  	[smem:$0x3FAF] =	sst s1  }
0xa: {  	[smem:$0x3FB0] =	sst s2  }
0xb: {  	[smem:$0x3FB1] =	sst s3  }
0xc: {  	[smem:$0x3FB2] =	sst s4  }
0xd: {  	[smem:$0x3FB3] =	sst s5  }
0xe: {  	[smem:$0x3FB4] =	sst s6  }
0xf: {  	[smem:$0x3FB5] =	sst s7  }
0x10: {  	[smem:$0x3FB6] =	sst s8  }
0x11: {  	[smem:$0x3FB7] =	sst s9;
	s0 =	simm.s32 @!p0 $0x0  }
0x12: {  	s1 =	sld [smem:$0x3F9D];
	s0 =	simm.s32 @p0 $0x1  }
0x13: {  	[smem:$0x3FB8] =	sst s0;
	s0 =	simm.s32 @!p1 $0x0  }
0x14: {  	s2 =	sld [smem:$0x3F9C];
	s0 =	simm.s32 @p1 $0x1  }
0x15: {  	[smem:$0x3FB9] =	sst s0;
	s0 =	simm.s32 @!p2 $0x0  }
0x16: {  	s3 =	sld [smem:$0x3FDB];
	s0 =	simm.s32 @p2 $0x1  }
0x17: {  	s4 =	simm.s32 $0x1BF5;
	[smem:$0x3FBB] =	sst s0  }
0x18: {  	s0 =	sld [smem:$0x3F9E];
	_ =	swait.ge [sflag:s4], $0x0  }
0x19: {  	s7 =	sld [smem:$0x3F9F]  }
0x1a: {  	s8 =	sadd.s32 $0xFFFFE003, lr  }
0x1b: {  	s9 =	sadd.s32 $0xFFFFFEF7, lr;
	s5 =	simm.s32 $0xFFFFFFFF;
	p2 =	slt.u32 s8, $0xFFFFF086  }
0x1c: {  	p1 =	slt.u32 s9, $0xF7A;
	s5 =	simm.s32 @!p2 $0x0  }
0x1d: {  	s5 =	simm.s32 @p1 $0x1;
	p0 =	seq.s32 s7, s2  }
0x1e: {  	s7 =	smul.u32 @!p0 $0xF7A, s2;
	p2 =	seq.s32 @!p0 s5, $0x0  }
0x1f: {  	s9 =	smul.u32 $0xF7A, s1;
	s8 =	simm.s32 @!p0 $0x1BF5;
	p2 =	por !p2, p0  }
0x20: {  	[sflag:s8] =	ssyncset.s32 @!p0 $0xFFFFF086;
	s6 =	sadd.s32 @!p0 s3, s7;
	s7 =	simm.s32 @!p0 $0x108  }
0x21: {  	s3 =	sadd.s32 s3, s9;
	s6 =	sadd.s32 @!p0 $0x88, s6;
	s7 =	simm.s32 @p2 $0x1082  }
0x22: {  	[simem:s7], [sflag:s8] =	dma.local @!p0 [hbm:s6], $0xF7A  }
0x23: {  	s9 =	sor.u32 $0xD0000000, s2;
	s6 =	simm.s32 $0x108;
	_ =	swait.ge @!p0 [sflag:s8], $0x0  }
0x24: {  	s3 =	sadd.s32 $0x88, s3;
	s6 =	simm.s32 @!p1 $0x1082;
	[sflag:s4] =	ssyncset.s32 $0xFFFFF086  }
0x25: {  	[simem:s6], [sflag:s4] =	dma.local [hbm:s3], $0xF7A  }
0x26: {  	[smem:$0x3F9F] =	sst s1;
	(tag) =	ssettag s2;
	_ =	strace s9  }
0x27: {  	s1 =	sld [smem:$0x3FAF]  }
0x28: {  	s2 =	sld [smem:$0x3FB0]  }
0x29: {  	s4 =	sld [smem:$0x3FB2]  }
0x2a: {  	p0 =	seq.s32 s5, $0x0;
	s5 =	sld [smem:$0x3FB3]  }
0x2b: {  	s6 =	sld [smem:$0x3FB4]  }
0x2c: {  	s7 =	sld [smem:$0x3FB5]  }
0x2d: {  	s3 =	simm.s32 $0x108;
	s8 =	sld [smem:$0x3FB6]  }
0x2e: {  	s3 =	simm.s32 @!p0 $0x1082;
	s9 =	sld [smem:$0x3FB7]  }
0x2f: {  	lr =	sadd.s32 s0, s3;
	s0 =	sld [smem:$0x3FAE]  }
0x30: {  	s3 =	sld [smem:$0x3FB1]  }
0x31: {  	[smem:$0x3FBA] =	sst s10  }
0x32: {  	s10 =	sld [smem:$0x3FB8];
	_ =	sdelay $0x3  }
0x33: {  	p0 =	seq.s32 s10, $0x1;
	s10 =	sld [smem:$0x3FBA];
	_ =	sdelay $0x3  }
0x34: {  	[smem:$0x3FBA] =	sst s10  }
0x35: {  	s10 =	sld [smem:$0x3FB9];
	_ =	sdelay $0x3  }
0x36: {  	p1 =	seq.s32 s10, $0x1;
	s10 =	sld [smem:$0x3FBA];
	_ =	sdelay $0x3  }
0x37: {  	[smem:$0x3FBA] =	sst s10  }
0x38: {  	s10 =	sld [smem:$0x3FBB]  }
0x39: {  	_ = 	snop;
	(pc) =	sbr.ind lr, $3  }
0x3a: {  	_ = 	snop  }
0x3b: {  	_ = 	snop  }
0x3c: {  	p2 =	seq.s32 s10, $0x1;
	s10 =	sld [smem:$0x3FBA]  }
0x3d: {  	_ =	shalt  }
0x3e: {  	_ =	shalt  }
0x3f: {  	_ =	shalt  }
0x40: {  	_ =	shalt  }
0x41: {  	_ =	shalt  }
0x42: {  	_ =	shalt  }
0x43: {  	_ =	shalt  }
0x44: {  	_ =	shalt  }
0x45: {  	_ =	shalt  }
0x46: {  	_ =	shalt  }
0x47: {  	_ =	shalt  }
0x48: {  	_ =	shalt  }
0x49: {  	_ =	shalt  }
0x4a: {  	_ =	shalt  }
0x4b: {  	_ =	shalt  }
0x4c: {  	_ =	shalt  }
0x4d: {  	_ =	shalt  }
0x4e: {  	_ =	shalt  }
0x4f: {  	_ =	shalt  }
0x50: {  	_ =	shalt  }
0x51: {  	_ =	shalt  }
0x52: {  	_ =	shalt  }
0x53: {  	_ =	shalt  }
0x54: {  	_ =	shalt  }
0x55: {  	_ =	shalt  }
0x56: {  	_ =	shalt  }
0x57: {  	_ =	shalt  }
0x58: {  	_ =	shalt  }
0x59: {  	_ =	shalt  }
0x5a: {  	_ =	shalt  }
0x5b: {  	_ =	shalt  }
0x5c: {  	_ =	shalt  }
0x5d: {  	_ =	shalt  }
0x5e: {  	_ =	shalt  }
0x5f: {  	_ =	shalt  }
0x60: {  	_ =	shalt  }
0x61: {  	_ =	shalt  }
0x62: {  	_ =	shalt  }
0x63: {  	_ =	shalt  }
0x64: {  	_ =	shalt  }
0x65: {  	_ =	shalt  }
0x66: {  	_ =	shalt  }
0x67: {  	_ =	shalt  }
0x68: {  	_ =	shalt  }
0x69: {  	_ =	shalt  }
0x6a: {  	_ =	shalt  }
0x6b: {  	_ =	shalt  }
0x6c: {  	_ =	shalt  }
0x6d: {  	_ =	shalt  }
0x6e: {  	_ =	shalt  }
0x6f: {  	_ =	shalt  }
0x70: {  	_ =	shalt  }
0x71: {  	_ =	shalt  }
0x72: {  	_ =	shalt  }
0x73: {  	_ =	shalt  }
0x74: {  	_ =	shalt  }
0x75: {  	_ =	shalt  }
0x76: {  	_ =	shalt  }
0x77: {  	_ =	shalt  }
0x78: {  	_ =	shalt  }
0x79: {  	_ =	shalt  }
0x7a: {  	_ =	shalt  }
0x7b: {  	_ =	shalt  }
0x7c: {  	_ =	shalt  }
0x7d: {  	_ =	shalt  }
0x7e: {  	_ =	shalt  }
0x7f: {  	_ =	shalt  }
0x80: {  	_ =	shalt  }
0x81: {  	_ =	shalt  }
0x82: {  	_ =	shalt  }
0x83: {  	_ =	shalt  }
0x84: {  	_ =	shalt  }
0x85: {  	_ =	shalt  }
0x86: {  	_ =	shalt  }
0x87: {  	_ =	shalt  }
.Lfunc_end0:
.L_simem_size_0:
called_computation.1_lowered:
.L_overlay_start_0:
0x88: {  	s2 =	sld [smem:$0x3FD9]  }
0x89: {  	s3 =	sld [smem:$0x3FFE];
	_ =	sdelay $0x1  }
0x8a: {  	s1 =	srdreg.scid  }
0x8b: {  	s0 =	sand.u32 $0x1, s1  }
0x8c: {  	s17 =	sshll.u32 s0, $0xA;
	s2 =	sadd.s32 s3, s2  }
0x8d: {  	s2 =	sadd.s32 s2, s17  }
0x8e: {  	[smem:$0x3FC6] =	sst s2  }
0x8f: {  	_ = 	snop  }
0x90: {  	s2 =	sld [smem:$0x3FC9]  }
0x91: {  	s18 =	sld [smem:$0x3FD0];
	(tm) =	ssettm $0x1  }
0x92: {  	s4 =	sld [smem:$0x3FFB];
	_ =	sdelay $0x3  }
0x93: {  	_ =	strace s4  }
0x94: {  	s4 =	sld [smem:$0x3FFC];
	_ =	sdelay $0x3  }
0x95: {  	_ =	strace s4  }
0x96: {  	s4 =	sld [smem:$0x3FFD];
	_ =	sdelay $0x3  }
0x97: {  	_ =	strace s4  }
0x98: {  	_ =	strace $0x8FFFFFFF  }
0x99: {  	s19 =	sld [smem:$0x3FDB];
	_ =	sdelay $0x1  }
0x9a: {  	s5 =	simm.s32 $_scs_section_size  }
0x9b: {  	s6 =	simm.s32 $_size__tile_overlayer_lowered;
	s7 =	simm.s32 $_tile_overlayer_lowered  }
0x9c: {  	s22 =	simm.s32 $0x1BFF;
	s21 =	sshll.u32 s7, $0x1;
	s4 =	sadd.s32 s5, s19  }
0x9d: {  	s8 =	simm.s32 $0x0;
	s20 =	sshll.u32 s6, $0x1;
	s6 =	sadd.s32 s21, s4  }
0x9e: {  	[timem:s8], [sflag:s22] =	dma.local [hbm:s6], s20  }
0x9f: {  	_ =	swait.ge [sflag:s22], s20  }
0xa0: {  	s5 =	ssub.s32 $0x0, s20;
	[sflag:s22] =	ssyncset.done $0x0  }
0xa1: {  	[sflag:s22] =	ssyncadd.s32 s5;
	_ =	sdelay $0x1  }
0xa2: {  	s23 =	simm.s32 $0x1B8B  }
0xa3: {  	_ =	swait.ge [sflag:s23], $0x1  }
0xa4: {  	[sflag:s23] =	ssyncset.done $0x0  }
0xa5: {  	s25 =	simm.s32 $0x1B8E;
	s24 =	sld [smem:$0x3FFE];
	[sflag:s23] =	ssyncadd.s32 $0xFFFFFFFF  }
0xa6: {  	s26 =	simm.s32 $execute0_lowered;
	[smem:$0x3FD2] =	sst s25  }
0xa7: {  	s6 =	sshll.u32 s26, $0x1;
	_ =	strace $0x80000046;
	[dreg:$0x1] =	wrdreg $0xFFFFFFFF  }
0xa8: {  	s28 =	simm.s32 $_size_execute0_lowered;
	s4 =	sadd.s32 s4, s6;
	[dreg:$0x0] =	wrdreg $0x0  }
0xa9: {  	s6 =	sshll.u32 s28, $0x1;
	[dreg:$0x2] =	wrdreg s4  }
0xaa: {  	[dreg:$0x3] =	wrdreg s6  }
0xab: {  	[dreg:$0x4] =	wrdreg $0xC0  }
0xac: {  	_ =	task [dreg:s8], $0x5FFFF  }
0xad: {  	[dreg:$0x1] =	wrdreg $0xFFFFFFFF  }
0xae: {  	[dreg:$0x0] =	wrdreg $0x60  }
0xaf: {  	[dreg:$0x2] =	wrdreg s2  }
0xb0: {  	[dreg:$0x3] =	wrdreg s24  }
0xb1: {  	[dreg:$0x4] =	wrdreg s18  }
0xb2: {  	[dreg:$0x5] =	wrdreg $0x9  }
0xb3: {  	_ =	task.clear_ibuf [dreg:s8], $0x6FFFF;
	_ =	strace $0x90000046  }
0xb4: {  	s29 =	simm.s32 $0x9;
	_ =	strace $0x80000048  }
0xb5: {  	_ =	swait.ge [sflag:s29], $0x1  }
0xb6: {  	[sflag:s29] =	ssyncadd.s32 $0xFFFFFFFF  }
0xb7: {  	_ =	strace $0x90000048  }
0xb8: {  	_ =	sfence  }
0xb9: {  	s30 =	sld [smem:$0x0];
	_ =	sdelay $0x2  }
0xba: {  	s31 =	sshll.u32 s1, $0xD;
	s1 =	sshrl.u32 s1, $0x2  }
0xbb: {  	s3 =	sand.u32 $0x4000, s31;
	s1 =	sadd.s32 s1, s30  }
0xbc: {  	s0 =	sor.u32 s3, s0;
	s1 =	sshll.u32 s1, $0x11  }
0xbd: {  	s0 =	sor.u32 s1, s0  }
0xbe: {  	s0 =	sadd.s32 $0x8F2B, s0  }
0xbf: {  	[sflag:s0] =	ssyncadd.remote.s32 $0x1  }
0xc0: {  	_ =	sfence.sel $0xFFFF  }
0xc1: {  	[dreg:$0x0] =	wrdreg $0xFFFFFFFF;
	(pc) =	sbr.abs _section_cstart, $3  }
0xc2: {  	[dreg:$0x1] =	wrdreg $0xFFFFFFFF  }
0xc3: {  	_ =	task.clear_ibuf [dreg:s8], $0x2FFFF;
	_ =	strace $0x9FFFFFFF  }
0xc4: {  	(tm) =	ssettm $0x7FFFFFFF  }
0xc5: {  	_ =	shalt  }
tec
execute0_lowered:
.L_overlay_start_1:
0x0: {  	(tag) =	ssettag $0x1  }
0x1: {  	s0 =	rddreg [dreg:$0x0]  }
0x2: {  	s1 =	rddreg [dreg:$0x1];
	s2 =	srdreg.scid  }
0x3: {  	s8 =	stileid.u32;
	s5 =	rddreg [dreg:$0x2]  }
0x4: {  	s10 =	simm.s32 $0x3900;
	s11 =	simm.s32 $0x100;
	s12 =	simm.s32 $0x5900  }
0x5: {  	s13 =	simm.s32 $0x180;
	s14 =	simm.s32 $0x7900;
	s15 =	simm.s32 $0x200  }
0x6: {  	s16 =	simm.s32 $0x9900;
	s17 =	simm.s32 $0x280;
	s18 =	simm.s32 $0xB900  }
0x7: {  	s19 =	simm.s32 $0x300;
	s20 =	simm.s32 $0xD900;
	s21 =	simm.s32 $0x380  }
0x8: {  	s22 =	simm.s32 $0xF900;
	s23 =	simm.s32 $0x1;
	s24 =	simm.s32 $0x2  }
0x9: {  	s4 =	sand.u32 $0x1, s2;
	s3 =	sshll.u32 s8, $0x1;
	s8 =	smul.u32 $0x19000, s8  }
0xa: {  	s2 =	simm.s32 $0x0;
	s3 =	sor.u32 s4, s3;
	s9 =	smul.u32 $0xC800, s4  }
0xb: {  	s25 =	simm.s32 $0x0;
	[smem:$0x7FF] =	sst s2;
	s6 =	smul.u32 $0x320, s3  }
0xc: {  	s7 =	ssub.s32 $0x2, s4;
	_ =	strace $0x80000047;
	s3 =	sadd.s32 $0xF42C00, s1  }
0xd: {  	s30 =	sshrl.u32 s7, $0x1;
	s31 =	sadd.s32 s8, s5;
	s8 =	simm.s32 $0x80  }
0xe: {  	s1 =	ssub.s32 s7, s30;
	s7 =	simm.s32 $0x3;
	s4 =	sadd.s32 s0, s6  }
0xf: {  	s5 =	smax.u32 s1, $0x1;
	s6 =	sadd.s32 s9, s31;
	s9 =	simm.s32 $0x1900  }
.LBB2_1:
0x10: {  	[tilespmem:s2], [sflag:$0x3] =	stream.linear.gather [hbm4b:s4+s2], $0x1900, $0x38;
	[tilespmem:$0x11900] =	vst v63  }
0x11: {  	_ =	swait.ge [sflag:s7], $0x1900  }
0x12: {  	[sflag:s7] =	ssyncset.done $0x0  }
0x13: {  	[sflag:s7] =	ssyncadd.s32 $0xFFFFE700  }
0x14: {  	[tilespmem:s9], [sflag:$0x1] =	stream.indirect.gather [hbm4b:s3+s8], $0x40, s2, s8, $0xb8;
	[tilespmem:$0x11900] =	vst v63  }
0x15: {  	_ = 	snop  }
0x16: {  	[tilespmem:s10], [sflag:$0x1] =	stream.indirect.gather [hbm4b:s3+s8], $0x40, s8, s8, $0xb8;
	[tilespmem:$0x11900] =	vst v63  }
0x17: {  	_ = 	snop  }
0x18: {  	[tilespmem:s12], [sflag:$0x1] =	stream.indirect.gather [hbm4b:s3+s8], $0x40, s11, s8, $0xb8;
	[tilespmem:$0x11900] =	vst v63  }
0x19: {  	_ = 	snop  }
0x1a: {  	[tilespmem:s14], [sflag:$0x1] =	stream.indirect.gather [hbm4b:s3+s8], $0x40, s13, s8, $0xb8;
	[tilespmem:$0x11900] =	vst v63  }
0x1b: {  	_ = 	snop  }
0x1c: {  	[tilespmem:s16], [sflag:$0x1] =	stream.indirect.gather [hbm4b:s3+s8], $0x40, s15, s8, $0xb8;
	[tilespmem:$0x11900] =	vst v63  }
0x1d: {  	_ = 	snop  }
0x1e: {  	[tilespmem:s18], [sflag:$0x1] =	stream.indirect.gather [hbm4b:s3+s8], $0x40, s17, s8, $0xb8;
	[tilespmem:$0x11900] =	vst v63  }
0x1f: {  	_ = 	snop  }
0x20: {  	[tilespmem:s20], [sflag:$0x1] =	stream.indirect.gather [hbm4b:s3+s8], $0x40, s19, s8, $0xb8;
	[tilespmem:$0x11900] =	vst v63  }
0x21: {  	_ = 	snop  }
0x22: {  	[tilespmem:s22], [sflag:$0x1] =	stream.indirect.gather [hbm4b:s3+s8], $0x40, s21, s8, $0xb8;
	[tilespmem:$0x11900] =	vst v63  }
0x23: {  	s0 =	sand.u32 $0x38000, s2;
	_ =	swait.ge [sflag:s23], $0x2000  }
0x24: {  	s0 =	sshrl.u32 s0, $0x2;
	[sflag:s23] =	ssyncset.done $0x0  }
0x25: {  	s26 =	simm.s32 $0x400;
	s31 =	sor.u32 $0x1900, s0;
	[sflag:s23] =	ssyncadd.s32 $0xFFFFE000  }
0x26: {  	[hbm4b:s6+s2] =	stream.linear.scatter [tilespmem:s31], [sflag:$0x2], $0x2000, $0x38;
	[tilespmem:$0x11900] =	vst v63  }
0x27: {  	s28 =	simm.s32 $0x1;
	s29 =	simm.s32 $0x8000;
	_ =	swait.ge [sflag:s24], $0x2000  }
0x28: {  	p1 =	por $0x0, $0x0;
	s30 =	sadd.s32 $0x400, s6;
	[sflag:s24] =	ssyncset.done $0x0  }
0x29: {  	s1 =	simm.s32 $0x480;
	s0 =	simm.s32 @!p1 $0x80;
	[sflag:s24] =	ssyncadd.s32 $0xFFFFE000  }
.LBB2_2:
0x2a: {  	[tilespmem:s31], [sflag:$0x1] =	stream.indirect.gather @!p1 [hbm4b:s3+s0], $0x40, s26, s0, $0xb8;
	[tilespmem:$0x11900] =	vst v63  }
0x2b: {  	s0 =	smov.u32 s28;
	s26 =	smov.u32 s1  }
0x2c: {  	s31 =	sand.u32 $0x38000, s29;
	s28 =	sadd.s32 $0x1, s28;
	_ =	swait.ge [sflag:s23], $0x2000  }
0x2d: {  	s31 =	sshrl.u32 s31, $0x2;
	p0 =	sne.s32 s28, $0x32;
	[sflag:s23] =	ssyncset.done $0x0  }
.Ltmp0:
0x2e: {  	s31 =	sor.u32 $0x1900, s31;
	[sflag:s23] =	ssyncadd.s32 $0xFFFFE000;
	(pc) =	sbr.rel @p0 .LBB2_2-.Ltmp0, $4  }
0x2f: {  	[hbm4b:s30+s2] =	stream.linear.scatter [tilespmem:s31], [sflag:$0x2], $0x2000, $0x38;
	[tilespmem:$0x11900] =	vst v63  }
0x30: {  	s29 =	sadd.s32 $0x8000, s29;
	_ =	swait.ge [sflag:s24], $0x2000  }
0x31: {  	p1 =	sgt.u32 s0, $0x29;
	s30 =	sadd.s32 $0x400, s30;
	[sflag:s24] =	ssyncset.done $0x0  }
0x32: {  	s1 =	sadd.s32 $0x80, s1;
	s0 =	simm.s32 @!p1 $0x80;
	[sflag:s24] =	ssyncadd.s32 $0xFFFFE000  }
0x33: {  	s25 =	sadd.s32 $0x1, s25  }
0x34: {  	p0 =	sne.s32 s25, s5  }
.Ltmp1:
0x35: {  	_ = 	snop;
	(pc) =	sbr.rel @p0 .LBB2_1-.Ltmp1, $2  }
0x36: {  	_ =	sdelay $0x2  }
0x37: {  	[tilespmem:s31], [sflag:$0x1] =	stream.indirect.gather @!p1 [hbm4b:s3+s0], $0x40, s26, s0, $0xb8;
	[tilespmem:$0x11900] =	vst v63  }
0x38: {  	_ =	sfence.sel $0x180000  }
0x39: {  	[bflag:$0x0] =	sbarrier.arrive $0xFFFF  }
0x3a: {  	_ =	strace $0x90000047  }
0x3b: {  	s0 =	stileid.u32;
	[bflag:$0x2] =	sbarrier.arrive $0xFFFF  }
0x3c: {  	p0 =	sne.s32 s0, $0x0;
	s0 =	rddreg [dreg:$0x3]  }
0x3d: {  	s0 =	sadd.s32 @!p0 $0x100000, s0  }
0x3e: {  	[sflag:s0] =	ssyncadd.tile.s32 @!p0 $0x1;
	_ =	shalt  }
.Lfunc_end2:
_tile_overlayer_lowered:
.L_overlay_start_2:
0x3f: {  	(tag) =	ssettag $0x2  }
0x40: {  	s0 =	rddreg [dreg:$0x0];
	s2 =	stileid.u32  }
0x41: {  	s1 =	rddreg [dreg:$0x1];
	p0 =	sne.s32 s2, $0x0  }
0x42: {  	s3 =	rddreg [dreg:$0x2];
	[bflag:$0x3] =	sbarrier.arrive $0xFFFF;
	s2 =	simm.s32 @!p0 $0x1C03  }
0x43: {  	[timem:s3], [sflag:s2] =	dma.local @!p0 [hbm:s0], s1  }
0x44: {  	s0 =	simm.s32 @!p0 $0x3  }
0x45: {  	_ =	swait.ge @!p0 [sflag:s0], s1  }
0x46: {  	s1 =	ssub.s32 @!p0 $0x0, s1;
	[sflag:s0] =	ssyncset.done @!p0 $0x0  }
0x47: {  	[sflag:s0] =	ssyncadd.s32 @!p0 s1  }
0x48: {  	[bflag:$0x3] =	sbarrier.arrive $0xFFFF  }
0x49: {  	_ =	shalt  }

// kernel: sparse-core-data-format-call.cloned.1.call-start
scs
called_computation_lowered:
.L_overlay_start_0:
0x0: {  	s2 =	sld [smem:$0x3FD9]  }
0x1: {  	s3 =	sld [smem:$0x3FFE];
	_ =	sdelay $0x1  }
0x2: {  	s1 =	srdreg.scid  }
0x3: {  	s0 =	sand.u32 $0x1, s1  }
0x4: {  	s18 =	sshll.u32 s0, $0xA;
	s2 =	sadd.s32 s3, s2  }
0x5: {  	s2 =	sadd.s32 s2, s18  }
0x6: {  	[smem:$0x3FC6] =	sst s2  }
0x7: {  	_ = 	snop  }
0x8: {  	s2 =	sld [smem:$0x3FD0];
	(tm) =	ssettm $0x1  }
0x9: {  	s19 =	sld [smem:$0x3FFB];
	_ =	sdelay $0x3  }
0xa: {  	_ =	strace s19  }
0xb: {  	s3 =	sld [smem:$0x3FFC];
	_ =	sdelay $0x3  }
0xc: {  	_ =	strace s3  }
0xd: {  	s3 =	sld [smem:$0x3FFD];
	_ =	sdelay $0x3  }
0xe: {  	_ =	strace s3  }
0xf: {  	_ =	strace $0x8FFFFFFF  }
0x10: {  	s20 =	sld [smem:$0x3FDB];
	_ =	sdelay $0x1  }
0x11: {  	s4 =	simm.s32 $_scs_section_size  }
0x12: {  	s5 =	simm.s32 $_size__tile_overlayer_lowered;
	s6 =	simm.s32 $_tile_overlayer_lowered  }
0x13: {  	s23 =	simm.s32 $0x1BFF;
	s22 =	sshll.u32 s6, $0x1;
	s3 =	sadd.s32 s4, s20  }
0x14: {  	s7 =	simm.s32 $0x0;
	s21 =	sshll.u32 s5, $0x1;
	s5 =	sadd.s32 s22, s3  }
0x15: {  	[timem:s7], [sflag:s23] =	dma.local [hbm:s5], s21  }
0x16: {  	_ =	swait.ge [sflag:s23], s21  }
0x17: {  	s4 =	ssub.s32 $0x0, s21;
	[sflag:s23] =	ssyncset.done $0x0  }
0x18: {  	[sflag:s23] =	ssyncadd.s32 s4;
	_ =	sdelay $0x1  }
0x19: {  	s24 =	simm.s32 $0x1B8B  }
0x1a: {  	_ =	swait.ge [sflag:s24], $0x1  }
0x1b: {  	[sflag:s24] =	ssyncset.done $0x0  }
0x1c: {  	s26 =	simm.s32 $0x1B8E;
	s25 =	sld [smem:$0x3FFE];
	[sflag:s24] =	ssyncadd.s32 $0xFFFFFFFF  }
0x1d: {  	s27 =	simm.s32 $execute0_lowered;
	[smem:$0x3FD2] =	sst s26  }
0x1e: {  	s5 =	sshll.u32 s27, $0x1;
	_ =	strace $0x80000049;
	[dreg:$0x1] =	wrdreg $0xFFFFFFFF  }
0x1f: {  	s28 =	simm.s32 $_size_execute0_lowered;
	s3 =	sadd.s32 s3, s5;
	[dreg:$0x0] =	wrdreg $0x0  }
0x20: {  	s5 =	sshll.u32 s28, $0x1;
	[dreg:$0x2] =	wrdreg s3  }
0x21: {  	[dreg:$0x3] =	wrdreg s5  }
0x22: {  	[dreg:$0x4] =	wrdreg $0xC0  }
0x23: {  	_ =	task [dreg:s7], $0x5FFFF  }
0x24: {  	[dreg:$0x1] =	wrdreg $0xFFFFFFFF  }
0x25: {  	[dreg:$0x0] =	wrdreg $0x60  }
0x26: {  	[dreg:$0x2] =	wrdreg s25  }
0x27: {  	[dreg:$0x3] =	wrdreg s2  }
0x28: {  	[dreg:$0x4] =	wrdreg $0x9  }
0x29: {  	_ =	task.clear_ibuf [dreg:s7], $0x5FFFF;
	_ =	strace $0x90000049  }
0x2a: {  	s29 =	simm.s32 $0x9;
	_ =	strace $0x8000004B  }
0x2b: {  	_ =	swait.ge [sflag:s29], $0x1  }
0x2c: {  	[sflag:s29] =	ssyncadd.s32 $0xFFFFFFFF  }
0x2d: {  	_ =	strace $0x9000004B  }
0x2e: {  	_ =	sfence  }
0x2f: {  	s30 =	sld [smem:$0x0];
	_ =	sdelay $0x2  }
0x30: {  	s31 =	sshll.u32 s1, $0xD;
	s1 =	sshrl.u32 s1, $0x2  }
0x31: {  	s3 =	sand.u32 $0x4000, s31;
	s1 =	sadd.s32 s1, s30  }
0x32: {  	s0 =	sor.u32 s3, s0;
	s1 =	sshll.u32 s1, $0x11  }
0x33: {  	s0 =	sor.u32 s1, s0  }
0x34: {  	s0 =	sadd.s32 $0x8F2B, s0  }
0x35: {  	[sflag:s0] =	ssyncadd.remote.s32 $0x1  }
0x36: {  	_ =	sfence.sel $0xFFFF  }
0x37: {  	[dreg:$0x0] =	wrdreg $0xFFFFFFFF;
	(pc) =	sbr.abs _section_cstart, $3  }
0x38: {  	[dreg:$0x1] =	wrdreg $0xFFFFFFFF  }
0x39: {  	_ =	task.clear_ibuf [dreg:s7], $0x2FFFF;
	_ =	strace $0x9FFFFFFF  }
0x3a: {  	(tm) =	ssettm $0x7FFFFFFF  }
0x3b: {  	_ =	shalt  }
tec
execute0_lowered:
.L_overlay_start_1:
0x0: {  	(tag) =	ssettag $0x1  }
0x1: {  	s7 =	rddreg [dreg:$0x0]  }
0x2: {  	s2 =	rddreg [dreg:$0x1]  }
0x3: {  	s0 =	stileid.u32;
	s1 =	srdreg.scid;
	s31 =	simm.s32 $0x2  }
0x4: {  	s14 =	simm.s32 $0x0;
	s15 =	simm.s32 $0x0;
	s13 =	simm.s32 $0x0  }
0x5: {  	s3 =	sshll.u32 s0, $0x5;
	s4 =	sshll.u32 s1, $0x9;
	s5 =	sshll.u32 s0, $0x1  }
0x6: {  	s1 =	rddreg [dreg:$0x2];
	s4 =	sor.u32 s3, s4;
	s3 =	sand.u32 $0x6, s5  }
0x7: {  	_ =	strace $0x8000004A;
	s4 =	sand.u32 $0x380, s4;
	s5 =	ssub.s32 $0xC8, s3  }
0x8: {  	s12 =	smov.u32 s3;
	s8 =	sshll.u32 s4, $0x4;
	s6 =	sand.u32 $0x6, s5  }
0x9: {  	s9 =	ssub.s32 $0x400, s4;
	s11 =	sshrl.u32 s5, $0x3;
	s5 =	simm.s32 $0x1  }
0xa: {  	p0 =	sne.s32 s6, $0x0;
	s6 =	simm.s32 $0x1;
	s10 =	sand.u32 $0x380, s9  }
0xb: {  	s6 =	simm.s32 @!p0 $0x0;
	p0 =	sne.s32 s10, $0x0;
	s10 =	simm.s32 $0x1  }
.Ltmp0:
0xc: {  	s9 =	sshrl.u32 s9, $0xA;
	s10 =	simm.s32 @!p0 $0x0;
	(pc) =	sbr.rel .LBB1_1-.Ltmp0, $4  }
0xd: {  	[sflag:s5] =	ssyncpa.u1 $0x0;
	s6 =	sadd.s32 s6, s11;
	s9 =	sadd.s32 s10, s9  }
0xe: {  	s8 =	sadd.s32 s8, s7;
	[sflag:s31] =	ssyncpa.u1 $0x0;
	s6 =	smul.u32 s6, s9  }
0xf: {  	s7 =	sadd.s32 $0x800, s8;
	s8 =	sadd.s32 $0x4800, s8;
	p0 =	por $0x0, $0x0  }
0x10: {  	s11 =	simm.s32 $0x2000;
	s10 =	simm.s32 $0x400;
	s9 =	sadd.s32 $0x1, s6  }
.LBB1_7:
0x11: {  	s16 =	sadd.s32 $0x8, s12  }
0x12: {  	p2 =	sgt.s32 s16, $0xC7  }
0x13: {  	s16 =	smov.u32 @p2 s3;
	p2 =	sne.s32 s13, s9  }
.Ltmp1:
0x14: {  	p1 =	slt.u32 s13, $0x2;
	(pc) =	sbr.rel @!p2 .LBB1_8-.Ltmp1, $4  }
0x15: {  	s14 =	simm.s32 @!p1 $0x2  }
0x16: {  	s17 =	sadd.s32 $0x1, s13;
	s15 =	smov.u32 s12;
	_ =	swait.ge @!p1 [sflag:s14], $0x4000  }
0x17: {  	p0 =	por !p0, !p0;
	s13 =	smov.u32 s17;
	[sflag:s14] =	ssyncset.done @!p1 $0x0  }
0x18: {  	s12 =	smov.u32 s16;
	[sflag:s14] =	ssyncadd.s32 @!p1 $0xFFFFC000;
	s14 =	smov.u32 s4  }
.LBB1_1:
0x19: {  	p1 =	sge.u32 s13, s6  }
0x1a: {  	s16 =	sxor.u32 @!p1 $0xFFFFFFFF, s13  }
0x1b: {  	s17 =	sshll.u32 @!p1 s12, $0xE;
	s19 =	simm.s32 @!p1 $0x40;
	s16 =	sshll.u32 @!p1 s16, $0xE  }
0x1c: {  	s20 =	simm.s32 @!p1 $0x80;
	s18 =	sadd.s32 @!p1 s17, s7;
	s16 =	sand.u32 @!p1 $0x4000, s16  }
0x1d: {  	[tilespmem:s16], [sflag:$0x1] =	stream.strided.gather @!p1 [hbm4b:s18+s19], $0x2000, s20, s19, $0x38;
	[tilespmem:$0x10100] =	vst v63  }
0x1e: {  	s31 =	sadd.s32 $0xFFFFFFFF, s13;
	s17 =	sadd.s32 @!p1 s17, s8;
	s16 =	sor.u32 @!p1 $0x2000, s16  }
0x1f: {  	[tilespmem:s16], [sflag:$0x1] =	stream.strided.gather @!p1 [hbm4b:s17+s19], $0x2000, s20, s19, $0x38;
	[tilespmem:$0x10100] =	vst v63  }
0x20: {  	p1 =	sge.u32 s31, s6  }
.Ltmp2:
0x21: {  	_ = 	snop;
	(pc) =	sbr.rel @p1 .LBB1_7-.Ltmp2, $1  }
0x22: {  	_ =	sdelay $0x3  }
0x23: {  	s16 =	simm.s32 $0x1;
	s18 =	sand.u32 $0x1, s13  }
0x24: {  	_ =	swait.ge [sflag:s5], $0x4000;
	s16 =	simm.s32 @!p0 $0x0;
	s18 =	smul.u32 $0x10200, s18  }
0x25: {  	p2 =	por $0x1, $0x1;
	[sflag:s5] =	ssyncset.done $0x0;
	s17 =	smul.u32 $0x10200, s16  }
0x26: {  	s19 =	sshll.u32 s16, $0x10;
	[sflag:s5] =	ssyncadd.s32 $0xFFFFC000;
	s30 =	sshrl.u32 s18, $0x2  }
0x27: {  	s31 =	sshrl.u32 s19, $0x2;
	s19 =	simm.s32 $0x0;
	s17 =	sshrl.u32 s17, $0x2  }
0x28: {  	s16 =	sor.u32 $0x8000, s30;
	s18 =	sadd.s32 $0x20, s31;
	s17 =	sor.u32 $0x8000, s17  }
.LBB1_3:
0x29: {  	s20 =	sshll.u32 s19, $0xD  }
0x2a: {  	s20 =	sand.u32 $0x3FFFE000, s20  }
0x2b: {  	s22 =	sadd.s32 s20, s18  }
0x2c: {  	s31 =	smul.u32 $0x8100, s19;
	v3 =	vld [tilespmem:s22+$0x10]  }
0x2d: {  	v1 =	vld [tilespmem:s22+$0xFFFFFFF0]  }
0x2e: {  	s19 =	sshra.s32 s31, $0x2;
	v0 =	vld [tilespmem:s22+$0x0]  }
0x2f: {  	s19 =	sadd.s32 s19, s17;
	v2 =	vld [tilespmem:s22+$0xFFFFFFE0]  }
0x30: {  	s20 =	sadd.s32 $0x0, s19  }
0x31: {  	p1 =	por p2, p2;
	s21 =	simm.s32 $0x4;
	s22 =	sadd.s32 $0x40, s22;
	[tilespmem:s20+$0x1830 ss:$0x81] =	vst.msk $0xffff, v3  }
.LBB1_4:
0x32: {  	v3 =	vld [tilespmem:s22+$0x10];
	p2 =	sne.s32 s21, $0x1FC;
	[tilespmem:s20+$0x810 ss:$0x81] =	vst.msk $0xffff, v1;
	s23 =	smov.u32 s21;
	s21 =	sadd.s32 $0x4, s21  }
.Ltmp3:
0x33: {  	v1 =	vld [tilespmem:s22+$0xFFFFFFF0];
	[tilespmem:s20+$0x1020 ss:$0x81] =	vst.msk $0xffff, v0;
	(pc) =	sbr.rel @p2 .LBB1_4-.Ltmp3, $4  }
0x34: {  	v0 =	vld [tilespmem:s22+$0x0];
	[tilespmem:s20+$0x0 ss:$0x81] =	vst.msk $0xffff, v2  }
0x35: {  	s20 =	sshra.s32 s23, $0x2;
	v2 =	vld [tilespmem:s22+$0xFFFFFFE0]  }
0x36: {  	s20 =	sadd.s32 s20, s19  }
0x37: {  	s22 =	sadd.s32 $0x40, s22;
	[tilespmem:s20+$0x1830 ss:$0x81] =	vst.msk $0xffff, v3  }
.Ltmp4:
0x38: {  	(pc) =	sbr.rel @p1 .LBB1_3-.Ltmp4, $4  }
0x39: {  	_ = 	snop  }
0x3a: {  	[tilespmem:s20+$0x810 ss:$0x81] =	vst.msk $0xffff, v1  }
0x3b: {  	[tilespmem:s20+$0x1020 ss:$0x81] =	vst.msk $0xffff, v0  }
0x3c: {  	s19 =	simm.s32 $0x1;
	p2 =	por $0x0, $0x0;
	[tilespmem:s20+$0x0 ss:$0x81] =	vst.msk $0xffff, v2  }
.Ltmp5:
0x3d: {  	(pc) =	sbr.rel .LBB1_7-.Ltmp5, $4  }
0x3e: {  	_ = 	snop  }
0x3f: {  	s15 =	sshll.u32 s15, $0xD;
	s14 =	sadd.s32 s2, s14  }
0x40: {  	s14 =	sadd.s32 s15, s14  }
0x41: {  	[hbm4b:s14+s10] =	stream.strided.scatter [tilespmem:s16], [sflag:$0x2], $0x4000, s11, s10, $0x20;
	[tilespmem:$0x10100] =	vst v63  }
.LBB1_8:
0x42: {  	_ =	sfence.sel $0x180000  }
0x43: {  	s2 =	simm.s32 $0x1;
	[bflag:$0x0] =	sbarrier.arrive $0xFFFF  }
0x44: {  	s31 =	simm.s32 $0x2;
	[sflag:s2] =	ssyncpa.u1 $0x1  }
0x45: {  	[sflag:s31] =	ssyncpa.u1 $0x1  }
0x46: {  	p0 =	sne.s32 s0, $0x0;
	_ =	strace $0x9000004A  }
0x47: {  	s0 =	sadd.s32 @!p0 $0x100000, s1;
	[bflag:$0x2] =	sbarrier.arrive $0xFFFF  }
0x48: {  	[sflag:s0] =	ssyncadd.tile.s32 @!p0 $0x1;
	_ =	shalt  }
.Lfunc_end1:
_tile_overlayer_lowered:
.L_overlay_start_2:
0x49: {  	(tag) =	ssettag $0x2  }
0x4a: {  	s0 =	rddreg [dreg:$0x0];
	s2 =	stileid.u32  }
0x4b: {  	s1 =	rddreg [dreg:$0x1];
	p0 =	sne.s32 s2, $0x0  }
0x4c: {  	s3 =	rddreg [dreg:$0x2];
	[bflag:$0x3] =	sbarrier.arrive $0xFFFF;
	s2 =	simm.s32 @!p0 $0x1C01  }
0x4d: {  	[timem:s3], [sflag:s2] =	dma.local @!p0 [hbm:s0], s1  }
0x4e: {  	s0 =	simm.s32 @!p0 $0x1  }
0x4f: {  	_ =	swait.ge @!p0 [sflag:s0], s1  }
0x50: {  	s1 =	ssub.s32 @!p0 $0x0, s1;
	[sflag:s0] =	ssyncset.done @!p0 $0x0  }
0x51: {  	[sflag:s0] =	ssyncadd.s32 @!p0 s1  }
0x52: {  	[bflag:$0x3] =	sbarrier.arrive $0xFFFF  }
0x53: {  	_ =	shalt  }

</sc_bundles>
